<compile_context>
chip_gen: v7x
topology: tpu7x:2x2x1
jax: 0.10.2.dev20260603
libtpu: 0.0.44.dev20260713+nightly
codegen_flags: <defaults>
</compile_context>

<pallas_src>
import functools

import jax
import jax.numpy as jnp
from jax import lax
from jax.experimental import pallas as pl
from jax.experimental.pallas import tpu as pltpu
from jax.experimental.pallas import tpu_sc as plsc

_DIM = 128
_FLAT = _DIM * _DIM


def _softplus_kernel(x_ref, o_ref):
    o_ref[...] = jax.nn.softplus(x_ref[...])


def _tc_softplus(x):
    batch, dim = x.shape
    return pl.pallas_call(
        _softplus_kernel,
        grid=(1,),
        in_specs=[pl.BlockSpec((batch, dim), lambda i: (0, 0))],
        out_specs=pl.BlockSpec((batch, dim), lambda i: (0, 0)),
        out_shape=jax.ShapeDtypeStruct((batch, dim), x.dtype),
    )(x)


def _sc_diag_write(d):
    batch, dim = d.shape
    info = plsc.get_sparse_core_info()
    nw = info.num_cores * info.num_subcores
    per_w = batch // nw
    mesh = plsc.VectorSubcoreMesh(core_axis_name="c", subcore_axis_name="s")

    @functools.partial(
        pl.kernel,
        mesh=mesh,
        out_type=jax.ShapeDtypeStruct((batch, _FLAT), jnp.float32),
        scratch_types=[
            pltpu.VMEM((_FLAT,), jnp.float32),
            pltpu.VMEM((dim,), jnp.float32),
        ],
        compiler_params=pltpu.CompilerParams(
            use_tc_tiling_on_sc=False, needs_layout_passes=False
        ),
    )
    def k(d_hbm, out_hbm, buf, dbuf):
        wid = lax.axis_index("s") * info.num_cores + lax.axis_index("c")
        base = wid * per_w
        z16 = jnp.zeros((16,), jnp.float32)

        def zero_body(i, _):
            buf[pl.ds(i * 16, 16)] = z16
            return 0

        lax.fori_loop(0, _FLAT // 16, zero_body, 0)

        def elem_body(b, _):
            pltpu.sync_copy(d_hbm.at[base + b], dbuf)
            for j in range(dim // 16):
                idx = lax.iota(jnp.int32, 16) * (_DIM + 1) + j * 16 * (_DIM + 1)
                vals = dbuf[pl.ds(16 * j, 16)]
                plsc.store_scatter(buf, [idx], vals)
            pltpu.sync_copy(buf, out_hbm.at[base + b])
            for j in range(dim // 16):
                idx = lax.iota(jnp.int32, 16) * (_DIM + 1) + j * 16 * (_DIM + 1)
                plsc.store_scatter(buf, [idx], z16)
            return 0

        lax.fori_loop(0, per_w, elem_body, 0)

    return k(d)


def kernel(embeddings):
    batch, dim, _ = embeddings.shape
    x = embeddings[:, :, 0]
    d = _tc_softplus(x)
    flat = _sc_diag_write(d)
    return flat.reshape(batch, dim, dim)

# --- scband reference (transcript-rebuilt; emitter-appended) ---
"""Pipeline reference for scband-mean-field-cov-14164802143040 (READ-ONLY COPY).

The authoritative reference and input builder live on the scoring server;
editing this copy changes nothing except your own understanding.
"""

import jax, jax.numpy as jnp
import numpy as np


def setup_inputs(seed: int = 0) -> dict:
    key = jax.random.key(seed)
    embeddings = jax.random.normal(key, (4096, 128, 1), dtype=jnp.float32)
    return {"embeddings": embeddings}


def reference(embeddings):
    # MeanFieldCov.forward: build diagonal covariance from 1-d embeddings
    batch = embeddings.shape[0]
    dim = embeddings.shape[1]
    diag_vals = jax.nn.softplus(embeddings[:, :, 0])  # [batch, dim]
    cov = jnp.zeros((batch, dim, dim), dtype=embeddings.dtype)
    idx = jnp.arange(dim)
    cov = cov.at[:, idx, idx].set(diag_vals)  # scatter-overwrite onto the diagonal
    return cov

if __name__ == "__main__":
    import jax
    _d = setup_inputs()
    print(jax.jit(kernel)(*tuple(_d.values())))

</pallas_src>

<mosaic_0001>
#map = affine_map<(d0, d1) -> (0, 0)>
module attributes {stable_mosaic.version = 14 : i64} {
  func.func @k(%arg0: i32, %arg1: i32, %arg2: memref<4096x128xf32, #tpu.memory_space<hbm>>, %arg3: memref<4096x16384xf32, #tpu.memory_space<hbm>>, %arg4: memref<16384xf32, #tpu.memory_space<vmem>>, %arg5: memref<128xf32, #tpu.memory_space<vmem>>) attributes {dimension_semantics = [#tpu.dimension_semantics<core_parallel>, #tpu.dimension_semantics<subcore_parallel>], iteration_bounds = array<i64: 2, 16>, scalar_prefetch = 0 : i64, scratch_operands = 2 : i64, tpu.core_type = #tpu.core_type<sc_vector_subcore>, window_params = [{transform_indices = #map}, {transform_indices = #map}]} {
    %mul3A = arith.constant 2 : i32
    %mul3A_0 = arith.muli %arg1, %mul3A : i32
    %add3A = arith.addi %mul3A_0, %arg0 : i32
    %mul3A_1 = arith.constant 128 : i32
    %mul3A_2 = arith.muli %add3A, %mul3A_1 : i32
    %broadcast_in_dim3A = arith.constant 0.000000e+00 : f32
    %broadcast_in_dim3A_3 = vector.broadcast %broadcast_in_dim3A : f32 to vector<16xf32>
    %scan3A = arith.constant 0 : i32
    %scan3A_4 = arith.constant 0 : i32
    %scan3A_5 = arith.constant 1024 : i32
    %scan3A_6 = arith.addi %scan3A_4, %scan3A_5 : i32
    %scan3A_7 = arith.constant 1 : i32
    %scan3A_8 = scf.for %scan3A_17 = %scan3A_4 to %scan3A_6 step %scan3A_7 iter_args(%scan3A_18 = %scan3A) -> (i32)  : i32 {
      %mul3A_19 = arith.constant 16 : i32
      %mul3A_20 = arith.muli %scan3A_17, %mul3A_19 : i32
      %swap3A = arith.index_cast %mul3A_20 : i32 to index
      %swap3A_21 = tpu.vector_load %arg4[%swap3A] {strides = array<i32>} : memref<16384xf32, #tpu.memory_space<vmem>>, vector<16xf32>,
      tpu.vector_store %arg4[%swap3A], %broadcast_in_dim3A_3 {strides = array<i32>} : memref<16384xf32, #tpu.memory_space<vmem>>, vector<16xf32>,
      %scan3A_22 = arith.constant 0 : i32
      scf.yield %scan3A_22 : i32
    }
    %scan3A_9 = arith.constant 1024 : i32
    %scan3A_10 = arith.constant 0 : i32
    %scan3A_11 = arith.constant 0 : i32
    %scan3A_12 = arith.constant 128 : i32
    %scan3A_13 = arith.addi %scan3A_11, %scan3A_12 : i32
    %scan3A_14 = arith.constant 1 : i32
    %scan3A_15 = scf.for %scan3A_17 = %scan3A_11 to %scan3A_13 step %scan3A_14 iter_args(%scan3A_18 = %scan3A_10) -> (i32)  : i32 {
      %add3A_19 = arith.addi %mul3A_2, %scan3A_17 : i32
      "tpu.region"() ({
        %run_scoped3A = tpu.sem_alloc : memref<!tpu.dma_semaphore, #tpu.memory_space<semaphore_mem>>
        %dma_start3A = arith.constant 0 : i32
        %dma_start3A_148 = tpu.memref_slice %arg2[%add3A_19, %dma_start3A] : memref<4096x128xf32, #tpu.memory_space<hbm>> -> memref<1x128xf32, #tpu.memory_space<hbm>>
        %dma_start3A_149 = tpu.memref_squeeze %dma_start3A_148 : memref<1x128xf32, #tpu.memory_space<hbm>> -> memref<128xf32, #tpu.memory_space<hbm>>
        %dma_start3A_150 = arith.constant 0 : i32
        %dma_start3A_151 = tpu.memref_slice %arg2[%add3A_19, %dma_start3A_150] : memref<4096x128xf32, #tpu.memory_space<hbm>> -> memref<1x128xf32, #tpu.memory_space<hbm>>
        %dma_start3A_152 = tpu.memref_squeeze %dma_start3A_151 : memref<1x128xf32, #tpu.memory_space<hbm>> -> memref<128xf32, #tpu.memory_space<hbm>>
        tpu.enqueue_dma source(%dma_start3A_152 : memref<128xf32, #tpu.memory_space<hbm>>) target(%arg5 : memref<128xf32, #tpu.memory_space<vmem>>) target_semaphore(%run_scoped3A : memref<!tpu.dma_semaphore, #tpu.memory_space<semaphore_mem>>)
        %dma_wait3A = arith.constant 0 : i32
        %dma_wait3A_153 = tpu.memref_slice %arg2[%add3A_19, %dma_wait3A] : memref<4096x128xf32, #tpu.memory_space<hbm>> -> memref<1x128xf32, #tpu.memory_space<hbm>>
        %dma_wait3A_154 = tpu.memref_squeeze %dma_wait3A_153 : memref<1x128xf32, #tpu.memory_space<hbm>> -> memref<128xf32, #tpu.memory_space<hbm>>
        %dma_wait3A_155 = arith.constant 0 : i32
        %dma_wait3A_156 = tpu.memref_slice %arg2[%add3A_19, %dma_wait3A_155] : memref<4096x128xf32, #tpu.memory_space<hbm>> -> memref<1x128xf32, #tpu.memory_space<hbm>>
        %dma_wait3A_157 = tpu.memref_squeeze %dma_wait3A_156 : memref<1x128xf32, #tpu.memory_space<hbm>> -> memref<128xf32, #tpu.memory_space<hbm>>
        tpu.wait_dma2 semaphore(%run_scoped3A : memref<!tpu.dma_semaphore, #tpu.memory_space<semaphore_mem>>) src(%dma_wait3A_157 : memref<128xf32, #tpu.memory_space<hbm>>) dst(%arg5 : memref<128xf32, #tpu.memory_space<vmem>>)
        tpu.yield
      }) : () -> ()
      %iota3A = tpu.iota {dimensions = array<i32: 0>} : vector<16xi32>
      %mul3A_20 = arith.constant 129 : i32
      %mul3A_21 = vector.broadcast %mul3A_20 : i32 to vector<16xi32>
      %mul3A_22 = arith.muli %iota3A, %mul3A_21 : vector<16xi32>
      %add3A_23 = arith.constant 0 : i32
      %add3A_24 = vector.broadcast %add3A_23 : i32 to vector<16xi32>
      %add3A_25 = arith.addi %mul3A_22, %add3A_24 : vector<16xi32>
      %get3A = arith.constant 0 : index
      %get3A_26 = tpu.vector_load %arg5[%get3A] {strides = array<i32>} : memref<128xf32, #tpu.memory_space<vmem>>, vector<16xf32>,
      tpu.vector_store_idx %arg4[%add3A_25], %get3A_26 : memref<16384xf32, #tpu.memory_space<vmem>>[vector<16xi32>], vector<16xf32>,
      %iota3A_27 = tpu.iota {dimensions = array<i32: 0>} : vector<16xi32>
      %mul3A_28 = arith.constant 129 : i32
      %mul3A_29 = vector.broadcast %mul3A_28 : i32 to vector<16xi32>
      %mul3A_30 = arith.muli %iota3A_27, %mul3A_29 : vector<16xi32>
      %add3A_31 = arith.constant 2064 : i32
      %add3A_32 = vector.broadcast %add3A_31 : i32 to vector<16xi32>
      %add3A_33 = arith.addi %mul3A_30, %add3A_32 : vector<16xi32>
      %get3A_34 = arith.constant 16 : index
      %get3A_35 = tpu.vector_load %arg5[%get3A_34] {strides = array<i32>} : memref<128xf32, #tpu.memory_space<vmem>>, vector<16xf32>,
      tpu.vector_store_idx %arg4[%add3A_33], %get3A_35 : memref<16384xf32, #tpu.memory_space<vmem>>[vector<16xi32>], vector<16xf32>,
      %iota3A_36 = tpu.iota {dimensions = array<i32: 0>} : vector<16xi32>
      %mul3A_37 = arith.constant 129 : i32
      %mul3A_38 = vector.broadcast %mul3A_37 : i32 to vector<16xi32>
      %mul3A_39 = arith.muli %iota3A_36, %mul3A_38 : vector<16xi32>
      %add3A_40 = arith.constant 4128 : i32
      %add3A_41 = vector.broadcast %add3A_40 : i32 to vector<16xi32>
      %add3A_42 = arith.addi %mul3A_39, %add3A_41 : vector<16xi32>
      %get3A_43 = arith.constant 32 : index
      %get3A_44 = tpu.vector_load %arg5[%get3A_43] {strides = array<i32>} : memref<128xf32, #tpu.memory_space<vmem>>, vector<16xf32>,
      tpu.vector_store_idx %arg4[%add3A_42], %get3A_44 : memref<16384xf32, #tpu.memory_space<vmem>>[vector<16xi32>], vector<16xf32>,
      %iota3A_45 = tpu.iota {dimensions = array<i32: 0>} : vector<16xi32>
      %mul3A_46 = arith.constant 129 : i32
      %mul3A_47 = vector.broadcast %mul3A_46 : i32 to vector<16xi32>
      %mul3A_48 = arith.muli %iota3A_45, %mul3A_47 : vector<16xi32>
      %add3A_49 = arith.constant 6192 : i32
      %add3A_50 = vector.broadcast %add3A_49 : i32 to vector<16xi32>
      %add3A_51 = arith.addi %mul3A_48, %add3A_50 : vector<16xi32>
      %get3A_52 = arith.constant 48 : index
      %get3A_53 = tpu.vector_load %arg5[%get3A_52] {strides = array<i32>} : memref<128xf32, #tpu.memory_space<vmem>>, vector<16xf32>,
      tpu.vector_store_idx %arg4[%add3A_51], %get3A_53 : memref<16384xf32, #tpu.memory_space<vmem>>[vector<16xi32>], vector<16xf32>,
      %iota3A_54 = tpu.iota {dimensions = array<i32: 0>} : vector<16xi32>
      %mul3A_55 = arith.constant 129 : i32
      %mul3A_56 = vector.broadcast %mul3A_55 : i32 to vector<16xi32>
      %mul3A_57 = arith.muli %iota3A_54, %mul3A_56 : vector<16xi32>
      %add3A_58 = arith.constant 8256 : i32
      %add3A_59 = vector.broadcast %add3A_58 : i32 to vector<16xi32>
      %add3A_60 = arith.addi %mul3A_57, %add3A_59 : vector<16xi32>
      %get3A_61 = arith.constant 64 : index
      %get3A_62 = tpu.vector_load %arg5[%get3A_61] {strides = array<i32>} : memref<128xf32, #tpu.memory_space<vmem>>, vector<16xf32>,
      tpu.vector_store_idx %arg4[%add3A_60], %get3A_62 : memref<16384xf32, #tpu.memory_space<vmem>>[vector<16xi32>], vector<16xf32>,
      %iota3A_63 = tpu.iota {dimensions = array<i32: 0>} : vector<16xi32>
      %mul3A_64 = arith.constant 129 : i32
      %mul3A_65 = vector.broadcast %mul3A_64 : i32 to vector<16xi32>
      %mul3A_66 = arith.muli %iota3A_63, %mul3A_65 : vector<16xi32>
      %add3A_67 = arith.constant 10320 : i32
      %add3A_68 = vector.broadcast %add3A_67 : i32 to vector<16xi32>
      %add3A_69 = arith.addi %mul3A_66, %add3A_68 : vector<16xi32>
      %get3A_70 = arith.constant 80 : index
      %get3A_71 = tpu.vector_load %arg5[%get3A_70] {strides = array<i32>} : memref<128xf32, #tpu.memory_space<vmem>>, vector<16xf32>,
      tpu.vector_store_idx %arg4[%add3A_69], %get3A_71 : memref<16384xf32, #tpu.memory_space<vmem>>[vector<16xi32>], vector<16xf32>,
      %iota3A_72 = tpu.iota {dimensions = array<i32: 0>} : vector<16xi32>
      %mul3A_73 = arith.constant 129 : i32
      %mul3A_74 = vector.broadcast %mul3A_73 : i32 to vector<16xi32>
      %mul3A_75 = arith.muli %iota3A_72, %mul3A_74 : vector<16xi32>
      %add3A_76 = arith.constant 12384 : i32
      %add3A_77 = vector.broadcast %add3A_76 : i32 to vector<16xi32>
      %add3A_78 = arith.addi %mul3A_75, %add3A_77 : vector<16xi32>
      %get3A_79 = arith.constant 96 : index
      %get3A_80 = tpu.vector_load %arg5[%get3A_79] {strides = array<i32>} : memref<128xf32, #tpu.memory_space<vmem>>, vector<16xf32>,
      tpu.vector_store_idx %arg4[%add3A_78], %get3A_80 : memref<16384xf32, #tpu.memory_space<vmem>>[vector<16xi32>], vector<16xf32>,
      %iota3A_81 = tpu.iota {dimensions = array<i32: 0>} : vector<16xi32>
      %mul3A_82 = arith.constant 129 : i32
      %mul3A_83 = vector.broadcast %mul3A_82 : i32 to vector<16xi32>
      %mul3A_84 = arith.muli %iota3A_81, %mul3A_83 : vector<16xi32>
      %add3A_85 = arith.constant 14448 : i32
      %add3A_86 = vector.broadcast %add3A_85 : i32 to vector<16xi32>
      %add3A_87 = arith.addi %mul3A_84, %add3A_86 : vector<16xi32>
      %get3A_88 = arith.constant 112 : index
      %get3A_89 = tpu.vector_load %arg5[%get3A_88] {strides = array<i32>} : memref<128xf32, #tpu.memory_space<vmem>>, vector<16xf32>,
      tpu.vector_store_idx %arg4[%add3A_87], %get3A_89 : memref<16384xf32, #tpu.memory_space<vmem>>[vector<16xi32>], vector<16xf32>,
      %add3A_90 = arith.addi %mul3A_2, %scan3A_17 : i32
      "tpu.region"() ({
        %run_scoped3A = tpu.sem_alloc : memref<!tpu.dma_semaphore, #tpu.memory_space<semaphore_mem>>
        %dma_start3A = arith.constant 0 : i32
        %dma_start3A_148 = tpu.memref_slice %arg3[%add3A_90, %dma_start3A] : memref<4096x16384xf32, #tpu.memory_space<hbm>> -> memref<1x16384xf32, #tpu.memory_space<hbm>>
        %dma_start3A_149 = tpu.memref_squeeze %dma_start3A_148 : memref<1x16384xf32, #tpu.memory_space<hbm>> -> memref<16384xf32, #tpu.memory_space<hbm>>
        %dma_start3A_150 = arith.constant 0 : i32
        %dma_start3A_151 = tpu.memref_slice %arg3[%add3A_90, %dma_start3A_150] : memref<4096x16384xf32, #tpu.memory_space<hbm>> -> memref<1x16384xf32, #tpu.memory_space<hbm>>
        %dma_start3A_152 = tpu.memref_squeeze %dma_start3A_151 : memref<1x16384xf32, #tpu.memory_space<hbm>> -> memref<16384xf32, #tpu.memory_space<hbm>>
        tpu.enqueue_dma source(%arg4 : memref<16384xf32, #tpu.memory_space<vmem>>) target(%dma_start3A_152 : memref<16384xf32, #tpu.memory_space<hbm>>) target_semaphore(%run_scoped3A : memref<!tpu.dma_semaphore, #tpu.memory_space<semaphore_mem>>)
        %dma_wait3A = arith.constant 0 : i32
        %dma_wait3A_153 = tpu.memref_slice %arg3[%add3A_90, %dma_wait3A] : memref<4096x16384xf32, #tpu.memory_space<hbm>> -> memref<1x16384xf32, #tpu.memory_space<hbm>>
        %dma_wait3A_154 = tpu.memref_squeeze %dma_wait3A_153 : memref<1x16384xf32, #tpu.memory_space<hbm>> -> memref<16384xf32, #tpu.memory_space<hbm>>
        %dma_wait3A_155 = arith.constant 0 : i32
        %dma_wait3A_156 = tpu.memref_slice %arg3[%add3A_90, %dma_wait3A_155] : memref<4096x16384xf32, #tpu.memory_space<hbm>> -> memref<1x16384xf32, #tpu.memory_space<hbm>>
        %dma_wait3A_157 = tpu.memref_squeeze %dma_wait3A_156 : memref<1x16384xf32, #tpu.memory_space<hbm>> -> memref<16384xf32, #tpu.memory_space<hbm>>
        tpu.wait_dma2 semaphore(%run_scoped3A : memref<!tpu.dma_semaphore, #tpu.memory_space<semaphore_mem>>) src(%arg4 : memref<16384xf32, #tpu.memory_space<vmem>>) dst(%dma_wait3A_157 : memref<16384xf32, #tpu.memory_space<hbm>>)
        tpu.yield
      }) : () -> ()
      %iota3A_91 = tpu.iota {dimensions = array<i32: 0>} : vector<16xi32>
      %mul3A_92 = arith.constant 129 : i32
      %mul3A_93 = vector.broadcast %mul3A_92 : i32 to vector<16xi32>
      %mul3A_94 = arith.muli %iota3A_91, %mul3A_93 : vector<16xi32>
      %add3A_95 = arith.constant 0 : i32
      %add3A_96 = vector.broadcast %add3A_95 : i32 to vector<16xi32>
      %add3A_97 = arith.addi %mul3A_94, %add3A_96 : vector<16xi32>
      tpu.vector_store_idx %arg4[%add3A_97], %broadcast_in_dim3A_3 : memref<16384xf32, #tpu.memory_space<vmem>>[vector<16xi32>], vector<16xf32>,
      %iota3A_98 = tpu.iota {dimensions = array<i32: 0>} : vector<16xi32>
      %mul3A_99 = arith.constant 129 : i32
      %mul3A_100 = vector.broadcast %mul3A_99 : i32 to vector<16xi32>
      %mul3A_101 = arith.muli %iota3A_98, %mul3A_100 : vector<16xi32>
      %add3A_102 = arith.constant 2064 : i32
      %add3A_103 = vector.broadcast %add3A_102 : i32 to vector<16xi32>
      %add3A_104 = arith.addi %mul3A_101, %add3A_103 : vector<16xi32>
      tpu.vector_store_idx %arg4[%add3A_104], %broadcast_in_dim3A_3 : memref<16384xf32, #tpu.memory_space<vmem>>[vector<16xi32>], vector<16xf32>,
      %iota3A_105 = tpu.iota {dimensions = array<i32: 0>} : vector<16xi32>
      %mul3A_106 = arith.constant 129 : i32
      %mul3A_107 = vector.broadcast %mul3A_106 : i32 to vector<16xi32>
      %mul3A_108 = arith.muli %iota3A_105, %mul3A_107 : vector<16xi32>
      %add3A_109 = arith.constant 4128 : i32
      %add3A_110 = vector.broadcast %add3A_109 : i32 to vector<16xi32>
      %add3A_111 = arith.addi %mul3A_108, %add3A_110 : vector<16xi32>
      tpu.vector_store_idx %arg4[%add3A_111], %broadcast_in_dim3A_3 : memref<16384xf32, #tpu.memory_space<vmem>>[vector<16xi32>], vector<16xf32>,
      %iota3A_112 = tpu.iota {dimensions = array<i32: 0>} : vector<16xi32>
      %mul3A_113 = arith.constant 129 : i32
      %mul3A_114 = vector.broadcast %mul3A_113 : i32 to vector<16xi32>
      %mul3A_115 = arith.muli %iota3A_112, %mul3A_114 : vector<16xi32>
      %add3A_116 = arith.constant 6192 : i32
      %add3A_117 = vector.broadcast %add3A_116 : i32 to vector<16xi32>
      %add3A_118 = arith.addi %mul3A_115, %add3A_117 : vector<16xi32>
      tpu.vector_store_idx %arg4[%add3A_118], %broadcast_in_dim3A_3 : memref<16384xf32, #tpu.memory_space<vmem>>[vector<16xi32>], vector<16xf32>,
      %iota3A_119 = tpu.iota {dimensions = array<i32: 0>} : vector<16xi32>
      %mul3A_120 = arith.constant 129 : i32
      %mul3A_121 = vector.broadcast %mul3A_120 : i32 to vector<16xi32>
      %mul3A_122 = arith.muli %iota3A_119, %mul3A_121 : vector<16xi32>
      %add3A_123 = arith.constant 8256 : i32
      %add3A_124 = vector.broadcast %add3A_123 : i32 to vector<16xi32>
      %add3A_125 = arith.addi %mul3A_122, %add3A_124 : vector<16xi32>
      tpu.vector_store_idx %arg4[%add3A_125], %broadcast_in_dim3A_3 : memref<16384xf32, #tpu.memory_space<vmem>>[vector<16xi32>], vector<16xf32>,
      %iota3A_126 = tpu.iota {dimensions = array<i32: 0>} : vector<16xi32>
      %mul3A_127 = arith.constant 129 : i32
      %mul3A_128 = vector.broadcast %mul3A_127 : i32 to vector<16xi32>
      %mul3A_129 = arith.muli %iota3A_126, %mul3A_128 : vector<16xi32>
      %add3A_130 = arith.constant 10320 : i32
      %add3A_131 = vector.broadcast %add3A_130 : i32 to vector<16xi32>
      %add3A_132 = arith.addi %mul3A_129, %add3A_131 : vector<16xi32>
      tpu.vector_store_idx %arg4[%add3A_132], %broadcast_in_dim3A_3 : memref<16384xf32, #tpu.memory_space<vmem>>[vector<16xi32>], vector<16xf32>,
      %iota3A_133 = tpu.iota {dimensions = array<i32: 0>} : vector<16xi32>
      %mul3A_134 = arith.constant 129 : i32
      %mul3A_135 = vector.broadcast %mul3A_134 : i32 to vector<16xi32>
      %mul3A_136 = arith.muli %iota3A_133, %mul3A_135 : vector<16xi32>
      %add3A_137 = arith.constant 12384 : i32
      %add3A_138 = vector.broadcast %add3A_137 : i32 to vector<16xi32>
      %add3A_139 = arith.addi %mul3A_136, %add3A_138 : vector<16xi32>
      tpu.vector_store_idx %arg4[%add3A_139], %broadcast_in_dim3A_3 : memref<16384xf32, #tpu.memory_space<vmem>>[vector<16xi32>], vector<16xf32>,
      %iota3A_140 = tpu.iota {dimensions = array<i32: 0>} : vector<16xi32>
      %mul3A_141 = arith.constant 129 : i32
      %mul3A_142 = vector.broadcast %mul3A_141 : i32 to vector<16xi32>
      %mul3A_143 = arith.muli %iota3A_140, %mul3A_142 : vector<16xi32>
      %add3A_144 = arith.constant 14448 : i32
      %add3A_145 = vector.broadcast %add3A_144 : i32 to vector<16xi32>
      %add3A_146 = arith.addi %mul3A_143, %add3A_145 : vector<16xi32>
      tpu.vector_store_idx %arg4[%add3A_146], %broadcast_in_dim3A_3 : memref<16384xf32, #tpu.memory_space<vmem>>[vector<16xi32>], vector<16xf32>,
      %scan3A_147 = arith.constant 0 : i32
      scf.yield %scan3A_147 : i32
    }
    %scan3A_16 = arith.constant 128 : i32
    return
  }
}

module attributes {stable_mosaic.version = 14 : i64} {
  func.func @_softplus_kernel(%arg0: i32, %arg1: memref<4096x128xf32, #tpu.memory_space<vmem>>, %arg2: memref<4096x128xf32, #tpu.memory_space<vmem>>) attributes {dimension_semantics = [#tpu.dimension_semantics<arbitrary>], iteration_bounds = array<i64: 1>, scalar_prefetch = 0 : i64, scratch_operands = 0 : i64, tpu.core_type = #tpu.core_type<tc>, window_params = [{pipeline_mode = #tpu.pipeline_mode<synchronous>, transform_indices = @transform_0, window_bounds = array<i64: 4096, 128>}, {pipeline_mode = #tpu.pipeline_mode<synchronous>, transform_indices = @transform_1, window_bounds = array<i64: 4096, 128>}]} {
    %get3A = arith.constant 0 : index
    %get3A_0 = arith.constant 0 : index
    %get3A_1 = vector.load %arg1[%get3A, %get3A_0] : memref<4096x128xf32, #tpu.memory_space<vmem>>, vector<4096x128xf32>
    %custom_jvp_call3A = arith.constant 0.000000e+00 : f32
    %max3A = vector.broadcast %custom_jvp_call3A : f32 to vector<4096x128xf32>
    %max3A_2 = arith.maximumf %get3A_1, %max3A : vector<4096x128xf32>
    %sub3A = vector.broadcast %custom_jvp_call3A : f32 to vector<4096x128xf32>
    %sub3A_3 = arith.subf %get3A_1, %sub3A : vector<4096x128xf32>
    %ne3A = arith.cmpf one, %sub3A_3, %sub3A_3 : vector<4096x128xf32>
    %add3A = vector.broadcast %custom_jvp_call3A : f32 to vector<4096x128xf32>
    %add3A_4 = arith.addf %get3A_1, %add3A : vector<4096x128xf32>
    %abs3A = math.absf %sub3A_3 : vector<4096x128xf32>
    %neg3A = arith.constant 0.000000e+00 : f32
    %neg3A_5 = vector.broadcast %neg3A : f32 to vector<4096x128xf32>
    %neg3A_6 = arith.subf %neg3A_5, %abs3A : vector<4096x128xf32>
    %exp3A = math.exp %neg3A_6 : vector<4096x128xf32>
    %log1p3A = math.log1p %exp3A : vector<4096x128xf32>
    %add3A_7 = arith.addf %max3A_2, %log1p3A : vector<4096x128xf32>
    %select_n3A = arith.select %ne3A, %add3A_4, %add3A_7 : vector<4096x128xi1>, vector<4096x128xf32>
    %swap3A = arith.constant 0 : index
    %swap3A_8 = arith.constant 0 : index
    %swap3A_9 = vector.load %arg2[%swap3A, %swap3A_8] : memref<4096x128xf32, #tpu.memory_space<vmem>>, vector<4096x128xf32>
    tpu.vector_store %arg2[%swap3A, %swap3A_8], %select_n3A {strides = array<i32>} : memref<4096x128xf32, #tpu.memory_space<vmem>>, vector<4096x128xf32>,
    return
  }
  func.func @transform_0(%arg0: i32) -> (i32, i32) {
    %c0_i32 = arith.constant 0 : i32
    %c0_i32_0 = arith.constant 0 : i32
    %c0_i32_1 = arith.constant 0 : i32
    return %c0_i32, %c0_i32_0 : i32, i32
  }
  func.func @transform_1(%arg0: i32) -> (i32, i32) {
    %c0_i32 = arith.constant 0 : i32
    %c0_i32_0 = arith.constant 0 : i32
    %c0_i32_1 = arith.constant 0 : i32
    return %c0_i32, %c0_i32_0 : i32, i32
  }
}

</mosaic_0001>

<sc_bundles>
// kernel: kernel.4.cloned.1.call-start
scs
__scs_entry_jumppad:
0x0: {  	(pc) =	sbr.rel $0x88, $3  }
0x1: {  	(tag) =	ssettag $0x0;
	lr =	simm.s32 $0x1  }
0x2: {  	[smem:$0x3FA0] =	sst lr;
	_ =	strace $0xD0000000  }
0x3: {  	_ = 	snop  }
0x4: {  	_ = 	snop  }
0x5: {  	_ = 	snop  }
0x6: {  	_ = 	snop  }
0x7: {  	_ = 	snop  }
__scs_overlays_trampoline_lowered:
0x8: {  	[smem:$0x3FAF] =	sst s0  }
0x9: {  	[smem:$0x3FB0] =	sst s1  }
0xa: {  	[smem:$0x3FB1] =	sst s2  }
0xb: {  	[smem:$0x3FB2] =	sst s3  }
0xc: {  	[smem:$0x3FB3] =	sst s4  }
0xd: {  	[smem:$0x3FB4] =	sst s5  }
0xe: {  	[smem:$0x3FB5] =	sst s6  }
0xf: {  	[smem:$0x3FB6] =	sst s7  }
0x10: {  	[smem:$0x3FB7] =	sst s8  }
0x11: {  	[smem:$0x3FB8] =	sst s9;
	s0 =	simm.s32 @!p0 $0x0  }
0x12: {  	s1 =	sld [smem:$0x3F9E];
	s0 =	simm.s32 @p0 $0x1  }
0x13: {  	[smem:$0x3FB9] =	sst s0;
	s0 =	simm.s32 @!p1 $0x0  }
0x14: {  	s2 =	sld [smem:$0x3F9D];
	s0 =	simm.s32 @p1 $0x1  }
0x15: {  	[smem:$0x3FBA] =	sst s0;
	s0 =	simm.s32 @!p2 $0x0  }
0x16: {  	s3 =	sld [smem:$0x3FDB];
	s0 =	simm.s32 @p2 $0x1  }
0x17: {  	s4 =	simm.s32 $0x1BF5;
	[smem:$0x3FBC] =	sst s0  }
0x18: {  	s0 =	sld [smem:$0x3F9F];
	_ =	swait.ge [sflag:s4], $0x0  }
0x19: {  	s7 =	sld [smem:$0x3FA0]  }
0x1a: {  	s8 =	sadd.s32 $0xFFFFE003, lr  }
0x1b: {  	s9 =	sadd.s32 $0xFFFFFEF7, lr;
	s5 =	simm.s32 $0xFFFFFFFF;
	p2 =	slt.u32 s8, $0xFFFFF086  }
0x1c: {  	p1 =	slt.u32 s9, $0xF7A;
	s5 =	simm.s32 @!p2 $0x0  }
0x1d: {  	s5 =	simm.s32 @p1 $0x1;
	p0 =	seq.s32 s7, s2  }
0x1e: {  	s7 =	smul.u32 @!p0 $0xF7A, s2;
	p2 =	seq.s32 @!p0 s5, $0x0  }
0x1f: {  	s9 =	smul.u32 $0xF7A, s1;
	s8 =	simm.s32 @!p0 $0x1BF5;
	p2 =	por !p2, p0  }
0x20: {  	[sflag:s8] =	ssyncset.s32 @!p0 $0xFFFFF086;
	s6 =	sadd.s32 @!p0 s3, s7;
	s7 =	simm.s32 @!p0 $0x108  }
0x21: {  	s3 =	sadd.s32 s3, s9;
	s6 =	sadd.s32 @!p0 $0x88, s6;
	s7 =	simm.s32 @p2 $0x1082  }
0x22: {  	[simem:s7], [sflag:s8] =	dma.local @!p0 [hbm:s6], $0xF7A  }
0x23: {  	s9 =	sor.u32 $0xD0000000, s2;
	s6 =	simm.s32 $0x108;
	_ =	swait.ge @!p0 [sflag:s8], $0x0  }
0x24: {  	s3 =	sadd.s32 $0x88, s3;
	s6 =	simm.s32 @!p1 $0x1082;
	[sflag:s4] =	ssyncset.s32 $0xFFFFF086  }
0x25: {  	[simem:s6], [sflag:s4] =	dma.local [hbm:s3], $0xF7A  }
0x26: {  	[smem:$0x3FA0] =	sst s1;
	(tag) =	ssettag s2;
	_ =	strace s9  }
0x27: {  	s1 =	sld [smem:$0x3FB0]  }
0x28: {  	s2 =	sld [smem:$0x3FB1]  }
0x29: {  	s4 =	sld [smem:$0x3FB3]  }
0x2a: {  	p0 =	seq.s32 s5, $0x0;
	s5 =	sld [smem:$0x3FB4]  }
0x2b: {  	s6 =	sld [smem:$0x3FB5]  }
0x2c: {  	s7 =	sld [smem:$0x3FB6]  }
0x2d: {  	s3 =	simm.s32 $0x108;
	s8 =	sld [smem:$0x3FB7]  }
0x2e: {  	s3 =	simm.s32 @!p0 $0x1082;
	s9 =	sld [smem:$0x3FB8]  }
0x2f: {  	lr =	sadd.s32 s0, s3;
	s0 =	sld [smem:$0x3FAF]  }
0x30: {  	s3 =	sld [smem:$0x3FB2]  }
0x31: {  	[smem:$0x3FBB] =	sst s10  }
0x32: {  	s10 =	sld [smem:$0x3FB9];
	_ =	sdelay $0x3  }
0x33: {  	p0 =	seq.s32 s10, $0x1;
	s10 =	sld [smem:$0x3FBB];
	_ =	sdelay $0x3  }
0x34: {  	[smem:$0x3FBB] =	sst s10  }
0x35: {  	s10 =	sld [smem:$0x3FBA];
	_ =	sdelay $0x3  }
0x36: {  	p1 =	seq.s32 s10, $0x1;
	s10 =	sld [smem:$0x3FBB];
	_ =	sdelay $0x3  }
0x37: {  	[smem:$0x3FBB] =	sst s10  }
0x38: {  	s10 =	sld [smem:$0x3FBC]  }
0x39: {  	_ = 	snop;
	(pc) =	sbr.ind lr, $3  }
0x3a: {  	_ = 	snop  }
0x3b: {  	_ = 	snop  }
0x3c: {  	p2 =	seq.s32 s10, $0x1;
	s10 =	sld [smem:$0x3FBB]  }
0x3d: {  	_ =	shalt  }
0x3e: {  	_ =	shalt  }
0x3f: {  	_ =	shalt  }
0x40: {  	_ =	shalt  }
0x41: {  	_ =	shalt  }
0x42: {  	_ =	shalt  }
0x43: {  	_ =	shalt  }
0x44: {  	_ =	shalt  }
0x45: {  	_ =	shalt  }
0x46: {  	_ =	shalt  }
0x47: {  	_ =	shalt  }
0x48: {  	_ =	shalt  }
0x49: {  	_ =	shalt  }
0x4a: {  	_ =	shalt  }
0x4b: {  	_ =	shalt  }
0x4c: {  	_ =	shalt  }
0x4d: {  	_ =	shalt  }
0x4e: {  	_ =	shalt  }
0x4f: {  	_ =	shalt  }
0x50: {  	_ =	shalt  }
0x51: {  	_ =	shalt  }
0x52: {  	_ =	shalt  }
0x53: {  	_ =	shalt  }
0x54: {  	_ =	shalt  }
0x55: {  	_ =	shalt  }
0x56: {  	_ =	shalt  }
0x57: {  	_ =	shalt  }
0x58: {  	_ =	shalt  }
0x59: {  	_ =	shalt  }
0x5a: {  	_ =	shalt  }
0x5b: {  	_ =	shalt  }
0x5c: {  	_ =	shalt  }
0x5d: {  	_ =	shalt  }
0x5e: {  	_ =	shalt  }
0x5f: {  	_ =	shalt  }
0x60: {  	_ =	shalt  }
0x61: {  	_ =	shalt  }
0x62: {  	_ =	shalt  }
0x63: {  	_ =	shalt  }
0x64: {  	_ =	shalt  }
0x65: {  	_ =	shalt  }
0x66: {  	_ =	shalt  }
0x67: {  	_ =	shalt  }
0x68: {  	_ =	shalt  }
0x69: {  	_ =	shalt  }
0x6a: {  	_ =	shalt  }
0x6b: {  	_ =	shalt  }
0x6c: {  	_ =	shalt  }
0x6d: {  	_ =	shalt  }
0x6e: {  	_ =	shalt  }
0x6f: {  	_ =	shalt  }
0x70: {  	_ =	shalt  }
0x71: {  	_ =	shalt  }
0x72: {  	_ =	shalt  }
0x73: {  	_ =	shalt  }
0x74: {  	_ =	shalt  }
0x75: {  	_ =	shalt  }
0x76: {  	_ =	shalt  }
0x77: {  	_ =	shalt  }
0x78: {  	_ =	shalt  }
0x79: {  	_ =	shalt  }
0x7a: {  	_ =	shalt  }
0x7b: {  	_ =	shalt  }
0x7c: {  	_ =	shalt  }
0x7d: {  	_ =	shalt  }
0x7e: {  	_ =	shalt  }
0x7f: {  	_ =	shalt  }
0x80: {  	_ =	shalt  }
0x81: {  	_ =	shalt  }
0x82: {  	_ =	shalt  }
0x83: {  	_ =	shalt  }
0x84: {  	_ =	shalt  }
0x85: {  	_ =	shalt  }
0x86: {  	_ =	shalt  }
0x87: {  	_ =	shalt  }
.Lfunc_end0:
.L_simem_size_0:
called_computation_lowered:
.L_overlay_start_0:
0x88: {  	s2 =	sld [smem:$0x3FD9]  }
0x89: {  	s3 =	sld [smem:$0x3FFE];
	_ =	sdelay $0x1  }
0x8a: {  	s1 =	srdreg.scid  }
0x8b: {  	s0 =	sand.u32 $0x1, s1  }
0x8c: {  	s17 =	sshll.u32 s0, $0xA;
	s2 =	sadd.s32 s3, s2  }
0x8d: {  	s2 =	sadd.s32 s2, s17  }
0x8e: {  	[smem:$0x3FC7] =	sst s2  }
0x8f: {  	_ = 	snop  }
0x90: {  	s2 =	sld [smem:$0x3FD0];
	(tm) =	ssettm $0x1  }
0x91: {  	s18 =	sld [smem:$0x3FFB];
	_ =	sdelay $0x3  }
0x92: {  	_ =	strace s18  }
0x93: {  	s3 =	sld [smem:$0x3FFC];
	_ =	sdelay $0x3  }
0x94: {  	_ =	strace s3  }
0x95: {  	s3 =	sld [smem:$0x3FFD];
	_ =	sdelay $0x3  }
0x96: {  	_ =	strace s3  }
0x97: {  	_ =	strace $0x8FFFFFFF  }
0x98: {  	s19 =	sld [smem:$0x3FDB];
	_ =	sdelay $0x1  }
0x99: {  	s4 =	simm.s32 $_scs_section_size  }
0x9a: {  	s5 =	simm.s32 $_size__tile_overlayer_lowered;
	s6 =	simm.s32 $_tile_overlayer_lowered  }
0x9b: {  	s22 =	simm.s32 $0x1BFF;
	s21 =	sshll.u32 s6, $0x1;
	s3 =	sadd.s32 s4, s19  }
0x9c: {  	s7 =	simm.s32 $0x0;
	s20 =	sshll.u32 s5, $0x1;
	s5 =	sadd.s32 s21, s3  }
0x9d: {  	[timem:s7], [sflag:s22] =	dma.local [hbm:s5], s20  }
0x9e: {  	_ =	swait.ge [sflag:s22], s20  }
0x9f: {  	s4 =	ssub.s32 $0x0, s20;
	[sflag:s22] =	ssyncset.done $0x0  }
0xa0: {  	[sflag:s22] =	ssyncadd.s32 s4;
	_ =	sdelay $0x1  }
0xa1: {  	s23 =	simm.s32 $0x1B8B  }
0xa2: {  	_ =	swait.ge [sflag:s23], $0x1  }
0xa3: {  	[sflag:s23] =	ssyncset.done $0x0  }
0xa4: {  	s25 =	simm.s32 $0x1B8E;
	s24 =	sld [smem:$0x3FFE];
	[sflag:s23] =	ssyncadd.s32 $0xFFFFFFFF  }
0xa5: {  	s26 =	simm.s32 $execute0_lowered;
	[smem:$0x3FD2] =	sst s25  }
0xa6: {  	s5 =	sshll.u32 s26, $0x1;
	_ =	strace $0x80000046;
	[dreg:$0x1] =	wrdreg $0xFFFFFFFF  }
0xa7: {  	s28 =	simm.s32 $_size_execute0_lowered;
	s3 =	sadd.s32 s3, s5;
	[dreg:$0x0] =	wrdreg $0x0  }
0xa8: {  	s5 =	sshll.u32 s28, $0x1;
	[dreg:$0x2] =	wrdreg s3  }
0xa9: {  	[dreg:$0x3] =	wrdreg s5  }
0xaa: {  	[dreg:$0x4] =	wrdreg $0xC0  }
0xab: {  	_ =	task [dreg:s7], $0x5FFFF  }
0xac: {  	[dreg:$0x1] =	wrdreg $0xFFFFFFFF  }
0xad: {  	[dreg:$0x0] =	wrdreg $0x60  }
0xae: {  	[dreg:$0x2] =	wrdreg s24  }
0xaf: {  	[dreg:$0x3] =	wrdreg s2  }
0xb0: {  	[dreg:$0x4] =	wrdreg $0x9  }
0xb1: {  	_ =	task.clear_ibuf [dreg:s7], $0x5FFFF;
	_ =	strace $0x90000046  }
0xb2: {  	s29 =	simm.s32 $0x9;
	_ =	strace $0x80000048  }
0xb3: {  	_ =	swait.ge [sflag:s29], $0x1  }
0xb4: {  	[sflag:s29] =	ssyncadd.s32 $0xFFFFFFFF  }
0xb5: {  	_ =	strace $0x90000048  }
0xb6: {  	_ =	sfence  }
0xb7: {  	s30 =	sld [smem:$0x0];
	_ =	sdelay $0x2  }
0xb8: {  	s31 =	sshll.u32 s1, $0xD;
	s1 =	sshrl.u32 s1, $0x2  }
0xb9: {  	s3 =	sand.u32 $0x4000, s31;
	s1 =	sadd.s32 s1, s30  }
0xba: {  	s0 =	sor.u32 s3, s0;
	s1 =	sshll.u32 s1, $0x11  }
0xbb: {  	s0 =	sor.u32 s1, s0  }
0xbc: {  	s0 =	sadd.s32 $0x8F2B, s0  }
0xbd: {  	[sflag:s0] =	ssyncadd.remote.s32 $0x1  }
0xbe: {  	_ =	sfence.sel $0xFFFF  }
0xbf: {  	[dreg:$0x0] =	wrdreg $0xFFFFFFFF;
	(pc) =	sbr.abs _section_cstart, $3  }
0xc0: {  	[dreg:$0x1] =	wrdreg $0xFFFFFFFF  }
0xc1: {  	_ =	task.clear_ibuf [dreg:s7], $0x2FFFF;
	_ =	strace $0x9FFFFFFF  }
0xc2: {  	(tm) =	ssettm $0x7FFFFFFF  }
0xc3: {  	_ =	shalt  }
tec
execute0_lowered:
.L_overlay_start_1:
0x0: {  	(tag) =	ssettag $0x1  }
0x1: {  	s3 =	rddreg [dreg:$0x0]  }
0x2: {  	s4 =	rddreg [dreg:$0x1]  }
0x3: {  	s0 =	rddreg [dreg:$0x2];
	s5 =	srdreg.scid  }
0x4: {  	s2 =	simm.s32 $0x0;
	s1 =	stileid.u32;
	v0 =	vlaneseq.u32;
	s5 =	sand.u32 $0x1, s5  }
0x5: {  	[smem:$0x7FF] =	sst s2;
	s6 =	sshll.u32 s1, $0xC;
	v0 =	vmul.u32 $0x81, v0;
	s30 =	sshll.u32 s1, $0x13  }
0x6: {  	s7 =	ssub.s32 $0x2, s5;
	_ =	strace $0x80000047;
	s3 =	sadd.s32 s6, s3  }
0x7: {  	s8 =	sshll.u32 s5, $0xB;
	s4 =	sadd.s32 s30, s4;
	s5 =	sshll.u32 s5, $0x12;
	v8 =	vadd.s32 $0x3870, v0  }
0x8: {  	v1 =	vimm.f32 $0.0e+00;
	s29 =	sshrl.u32 s7, $0x1;
	s31 =	sadd.s32 s8, s3;
	s4 =	sadd.s32 s5, s4  }
0x9: {  	v2 =	vadd.s32 $0x810, v0;
	v3 =	vadd.s32 $0x1020, v0;
	v4 =	vadd.s32 $0x1830, v0;
	s8 =	simm.s32 $0x0;
	s6 =	ssub.s32 s7, s29;
	s5 =	sadd.s32 $0x800, s31  }
0xa: {  	v5 =	vadd.s32 $0x2040, v0;
	v6 =	vadd.s32 $0x2850, v0;
	v7 =	vadd.s32 $0x3060, v0;
	s7 =	simm.s32 $0x1;
	s3 =	smax.u32 s6, $0x1;
	s6 =	simm.s32 $0x4000  }
.LBB2_1:
0xb: {  	s9 =	simm.s32 $0x0  }
.LBB2_2:
0xc: {  	p0 =	sne.s32 s9, $0xFFC0  }
.Ltmp0:
0xd: {  	_ = 	snop;
	(pc) =	sbr.rel @p0 .LBB2_2-.Ltmp0, $3  }
0xe: {  	_ =	sdelay $0x1  }
0xf: {  	s10 =	sshra.s32 s9, $0x2  }
0x10: {  	s9 =	sadd.s32 $0x40, s9;
	[tilespmem:s10+$0x0] =	vst v1  }
0x11: {  	s9 =	sadd.s32 $0x0, s5  }
0x12: {  	[tilespmem:s6], [sflag:$0x1] =	stream.linear.gather [hbm4b:s9+s2], $0x80, $0x38;
	[tilespmem:$0x4080] =	vst v63  }
0x13: {  	_ =	swait.ge [sflag:s7], $0x80  }
0x14: {  	[sflag:s7] =	ssyncset.done $0x0  }
0x15: {  	[sflag:s7] =	ssyncadd.s32 $0xFFFFFF80  }
0x16: {  	v9 =	vld [tilespmem:$0x4000];
	_ =	sdelay $0x4  }
0x17: {  	[tilespmem:v0+s2+$0x0] =	vst.idx.msk $0xffff, v9  }
0x18: {  	v9 =	vld [tilespmem:$0x4010];
	_ =	sdelay $0x4  }
0x19: {  	[tilespmem:v2+s2+$0x0] =	vst.idx.msk $0xffff, v9  }
0x1a: {  	v9 =	vld [tilespmem:$0x4020];
	_ =	sdelay $0x4  }
0x1b: {  	[tilespmem:v3+s2+$0x0] =	vst.idx.msk $0xffff, v9  }
0x1c: {  	v9 =	vld [tilespmem:$0x4030];
	_ =	sdelay $0x4  }
0x1d: {  	[tilespmem:v4+s2+$0x0] =	vst.idx.msk $0xffff, v9  }
0x1e: {  	v9 =	vld [tilespmem:$0x4040];
	_ =	sdelay $0x4  }
0x1f: {  	[tilespmem:v5+s2+$0x0] =	vst.idx.msk $0xffff, v9  }
0x20: {  	v9 =	vld [tilespmem:$0x4050];
	_ =	sdelay $0x4  }
0x21: {  	[tilespmem:v6+s2+$0x0] =	vst.idx.msk $0xffff, v9  }
0x22: {  	v9 =	vld [tilespmem:$0x4060];
	_ =	sdelay $0x4  }
0x23: {  	[tilespmem:v7+s2+$0x0] =	vst.idx.msk $0xffff, v9  }
0x24: {  	v9 =	vld [tilespmem:$0x4070];
	_ =	sdelay $0x4  }
0x25: {  	[tilespmem:v8+s2+$0x0] =	vst.idx.msk $0xffff, v9  }
0x26: {  	[hbm4b:s4+s2] =	stream.linear.scatter [tilespmem:s2], [sflag:$0x1], $0x4000, $0x38;
	[tilespmem:$0x4080] =	vst v63  }
0x27: {  	_ =	swait.ge [sflag:s7], $0x4000  }
0x28: {  	[sflag:s7] =	ssyncset.done $0x0  }
0x29: {  	[sflag:s7] =	ssyncadd.s32 $0xFFFFC000  }
0x2a: {  	[tilespmem:v0+s2+$0x0] =	vst.idx.msk $0xffff, v1  }
0x2b: {  	[tilespmem:v2+s2+$0x0] =	vst.idx.msk $0xffff, v1  }
0x2c: {  	[tilespmem:v3+s2+$0x0] =	vst.idx.msk $0xffff, v1  }
0x2d: {  	[tilespmem:v4+s2+$0x0] =	vst.idx.msk $0xffff, v1  }
0x2e: {  	[tilespmem:v5+s2+$0x0] =	vst.idx.msk $0xffff, v1  }
0x2f: {  	[tilespmem:v6+s2+$0x0] =	vst.idx.msk $0xffff, v1  }
0x30: {  	s10 =	simm.s32 $0x10;
	s12 =	simm.s32 $0x20;
	s9 =	smov.u32 s4;
	[tilespmem:v7+s2+$0x0] =	vst.idx.msk $0xffff, v1  }
.LBB2_4:
0x31: {  	s13 =	sadd.s32 s10, s5  }
0x32: {  	[tilespmem:v8+s2+$0x0] =	vst.idx.msk $0xffff, v1;
	s9 =	sadd.s32 $0x800, s9;
	s10 =	smov.u32 s12;
	s11 =	sadd.s32 $0x10, s12  }
0x33: {  	[tilespmem:s6], [sflag:$0x1] =	stream.linear.gather [hbm4b:s13+s2], $0x80, $0x38;
	[tilespmem:$0x4080] =	vst v63  }
0x34: {  	p0 =	sne.s32 s12, $0x7F0;
	_ =	swait.ge [sflag:s7], $0x80  }
0x35: {  	[sflag:s7] =	ssyncset.done $0x0  }
0x36: {  	[sflag:s7] =	ssyncadd.s32 $0xFFFFFF80  }
0x37: {  	v9 =	vld [tilespmem:$0x4000];
	_ =	sdelay $0x4  }
0x38: {  	[tilespmem:v0+s2+$0x0] =	vst.idx.msk $0xffff, v9  }
0x39: {  	v9 =	vld [tilespmem:$0x4010];
	_ =	sdelay $0x4  }
0x3a: {  	[tilespmem:v2+s2+$0x0] =	vst.idx.msk $0xffff, v9  }
0x3b: {  	v9 =	vld [tilespmem:$0x4020];
	_ =	sdelay $0x4  }
0x3c: {  	[tilespmem:v3+s2+$0x0] =	vst.idx.msk $0xffff, v9  }
0x3d: {  	v9 =	vld [tilespmem:$0x4030];
	_ =	sdelay $0x4  }
0x3e: {  	[tilespmem:v4+s2+$0x0] =	vst.idx.msk $0xffff, v9  }
0x3f: {  	v9 =	vld [tilespmem:$0x4040];
	_ =	sdelay $0x4  }
0x40: {  	[tilespmem:v5+s2+$0x0] =	vst.idx.msk $0xffff, v9  }
0x41: {  	v9 =	vld [tilespmem:$0x4050];
	_ =	sdelay $0x4  }
0x42: {  	[tilespmem:v6+s2+$0x0] =	vst.idx.msk $0xffff, v9  }
0x43: {  	v9 =	vld [tilespmem:$0x4060];
	_ =	sdelay $0x4  }
0x44: {  	[tilespmem:v7+s2+$0x0] =	vst.idx.msk $0xffff, v9  }
0x45: {  	v9 =	vld [tilespmem:$0x4070];
	_ =	sdelay $0x4  }
0x46: {  	[tilespmem:v8+s2+$0x0] =	vst.idx.msk $0xffff, v9  }
0x47: {  	[hbm4b:s9+s2] =	stream.linear.scatter [tilespmem:s2], [sflag:$0x1], $0x4000, $0x38;
	[tilespmem:$0x4080] =	vst v63  }
0x48: {  	_ =	swait.ge [sflag:s7], $0x4000  }
0x49: {  	[sflag:s7] =	ssyncset.done $0x0  }
0x4a: {  	[sflag:s7] =	ssyncadd.s32 $0xFFFFC000  }
0x4b: {  	[tilespmem:v0+s2+$0x0] =	vst.idx.msk $0xffff, v1  }
0x4c: {  	[tilespmem:v2+s2+$0x0] =	vst.idx.msk $0xffff, v1  }
.Ltmp1:
0x4d: {  	[tilespmem:v3+s2+$0x0] =	vst.idx.msk $0xffff, v1;
	(pc) =	sbr.rel @p0 .LBB2_4-.Ltmp1, $4  }
0x4e: {  	[tilespmem:v4+s2+$0x0] =	vst.idx.msk $0xffff, v1  }
0x4f: {  	[tilespmem:v5+s2+$0x0] =	vst.idx.msk $0xffff, v1  }
0x50: {  	[tilespmem:v6+s2+$0x0] =	vst.idx.msk $0xffff, v1  }
0x51: {  	s12 =	smov.u32 s11;
	[tilespmem:v7+s2+$0x0] =	vst.idx.msk $0xffff, v1  }
0x52: {  	_ =	sdelay $0x3  }
0x53: {  	s10 =	sadd.s32 s10, s5;
	[tilespmem:v8+s2+$0x0] =	vst.idx.msk $0xffff, v1  }
0x54: {  	[tilespmem:s6], [sflag:$0x1] =	stream.linear.gather [hbm4b:s10+s2], $0x80, $0x38;
	[tilespmem:$0x4080] =	vst v63  }
0x55: {  	_ =	swait.ge [sflag:s7], $0x80  }
0x56: {  	[sflag:s7] =	ssyncset.done $0x0  }
0x57: {  	[sflag:s7] =	ssyncadd.s32 $0xFFFFFF80  }
0x58: {  	v9 =	vld [tilespmem:$0x4000];
	_ =	sdelay $0x4  }
0x59: {  	[tilespmem:v0+s2+$0x0] =	vst.idx.msk $0xffff, v9  }
0x5a: {  	v9 =	vld [tilespmem:$0x4010];
	_ =	sdelay $0x4  }
0x5b: {  	[tilespmem:v2+s2+$0x0] =	vst.idx.msk $0xffff, v9  }
0x5c: {  	v9 =	vld [tilespmem:$0x4020];
	_ =	sdelay $0x4  }
0x5d: {  	[tilespmem:v3+s2+$0x0] =	vst.idx.msk $0xffff, v9  }
0x5e: {  	v9 =	vld [tilespmem:$0x4030];
	_ =	sdelay $0x4  }
0x5f: {  	[tilespmem:v4+s2+$0x0] =	vst.idx.msk $0xffff, v9  }
0x60: {  	v9 =	vld [tilespmem:$0x4040];
	_ =	sdelay $0x4  }
0x61: {  	[tilespmem:v5+s2+$0x0] =	vst.idx.msk $0xffff, v9  }
0x62: {  	v9 =	vld [tilespmem:$0x4050];
	_ =	sdelay $0x4  }
0x63: {  	[tilespmem:v6+s2+$0x0] =	vst.idx.msk $0xffff, v9  }
0x64: {  	v9 =	vld [tilespmem:$0x4060];
	_ =	sdelay $0x4  }
0x65: {  	[tilespmem:v7+s2+$0x0] =	vst.idx.msk $0xffff, v9  }
0x66: {  	v9 =	vld [tilespmem:$0x4070];
	_ =	sdelay $0x4  }
0x67: {  	s9 =	sadd.s32 $0x800, s9;
	[tilespmem:v8+s2+$0x0] =	vst.idx.msk $0xffff, v9  }
0x68: {  	[hbm4b:s9+s2] =	stream.linear.scatter [tilespmem:s2], [sflag:$0x1], $0x4000, $0x38;
	[tilespmem:$0x4080] =	vst v63  }
0x69: {  	_ =	swait.ge [sflag:s7], $0x4000  }
0x6a: {  	[sflag:s7] =	ssyncset.done $0x0  }
0x6b: {  	[sflag:s7] =	ssyncadd.s32 $0xFFFFC000  }
0x6c: {  	[tilespmem:v0+s2+$0x0] =	vst.idx.msk $0xffff, v1  }
0x6d: {  	s8 =	sadd.s32 $0x1, s8;
	[tilespmem:v2+s2+$0x0] =	vst.idx.msk $0xffff, v1  }
0x6e: {  	p0 =	sne.s32 s8, s3;
	[tilespmem:v3+s2+$0x0] =	vst.idx.msk $0xffff, v1  }
.Ltmp2:
0x6f: {  	[tilespmem:v4+s2+$0x0] =	vst.idx.msk $0xffff, v1;
	(pc) =	sbr.rel @p0 .LBB2_1-.Ltmp2, $4  }
0x70: {  	[tilespmem:v5+s2+$0x0] =	vst.idx.msk $0xffff, v1  }
0x71: {  	[tilespmem:v6+s2+$0x0] =	vst.idx.msk $0xffff, v1  }
0x72: {  	[tilespmem:v7+s2+$0x0] =	vst.idx.msk $0xffff, v1  }
0x73: {  	[tilespmem:v8+s2+$0x0] =	vst.idx.msk $0xffff, v1  }
0x74: {  	_ =	sfence.sel $0x180000  }
0x75: {  	[bflag:$0x0] =	sbarrier.arrive $0xFFFF  }
0x76: {  	p0 =	sne.s32 s1, $0x0;
	_ =	strace $0x90000047  }
0x77: {  	s0 =	sadd.s32 @!p0 $0x100000, s0;
	[bflag:$0x2] =	sbarrier.arrive $0xFFFF  }
0x78: {  	[sflag:s0] =	ssyncadd.tile.s32 @!p0 $0x1;
	_ =	shalt  }
.Lfunc_end2:
_tile_overlayer_lowered:
.L_overlay_start_2:
0x79: {  	(tag) =	ssettag $0x2  }
0x7a: {  	s0 =	rddreg [dreg:$0x0];
	s2 =	stileid.u32  }
0x7b: {  	s1 =	rddreg [dreg:$0x1];
	p0 =	sne.s32 s2, $0x0  }
0x7c: {  	s3 =	rddreg [dreg:$0x2];
	[bflag:$0x3] =	sbarrier.arrive $0xFFFF;
	s2 =	simm.s32 @!p0 $0x1C01  }
0x7d: {  	[timem:s3], [sflag:s2] =	dma.local @!p0 [hbm:s0], s1  }
0x7e: {  	s0 =	simm.s32 @!p0 $0x1  }
0x7f: {  	_ =	swait.ge @!p0 [sflag:s0], s1  }
0x80: {  	s1 =	ssub.s32 @!p0 $0x0, s1;
	[sflag:s0] =	ssyncset.done @!p0 $0x0  }
0x81: {  	[sflag:s0] =	ssyncadd.s32 @!p0 s1  }
0x82: {  	[bflag:$0x3] =	sbarrier.arrive $0xFFFF  }
0x83: {  	_ =	shalt  }

</sc_bundles>
